<compile_context>
chip_gen: v7x
topology: tpu7x:2x2x1
jax: 0.10.2.dev20260603
libtpu: 0.0.44.dev20260713+nightly
codegen_flags: <defaults>
</compile_context>

<pallas_src>
import functools

import jax
import jax.numpy as jnp
from jax import lax
from jax.experimental import pallas as pl
from jax.experimental.pallas import tpu as pltpu
from jax.experimental.pallas import tpu_sc as plsc

_N_EMB = 1024
_DIM = 64
_TOKENS = 16 * 1024
_BLK = 2048
_GRID = _TOKENS // _BLK
_LANES = 128
_NCHUNK = _N_EMB // _LANES

_NC = 2
_NS = 16
_NW = _NC * _NS
_ROWS_PER_W = _TOKENS // _NW
_STREAMS = 4
_ROWS_PER_S = _ROWS_PER_W // _STREAMS


def _vq_body(x_ref, e_ref, idx_ref, idxsc_ref, table_ref, losssum_ref):
    i = pl.program_id(0)
    x = x_ref[...].reshape(_BLK, _DIM)
    e = e_ref[...]
    x2 = jnp.sum(x * x, axis=1, keepdims=True)
    e2 = jnp.sum(e * e, axis=1)
    xm2 = x * (-2.0)
    xe = lax.dot_general(xm2, e, (((1,), (1,)), ((), ())),
                         preferred_element_type=jnp.float32)
    d = (x2 + e2[None, :]) + xe
    runm = d[:, 0:_LANES]
    runc = jnp.zeros((_BLK, _LANES), jnp.int32)
    for c in range(1, _NCHUNK):
        dc = d[:, c * _LANES:(c + 1) * _LANES]
        lt = dc < runm
        runm = jnp.where(lt, dc, runm)
        runc = jnp.where(lt, c, runc)
    m = jnp.min(runm, axis=1, keepdims=True)
    lane = lax.broadcasted_iota(jnp.int32, (_BLK, _LANES), 1)
    cand = jnp.where(runm == m, runc * _LANES + lane, _N_EMB)
    idx = jnp.min(cand, axis=1)
    idx_ref[...] = idx.reshape(_BLK, 1)
    idxsc_ref[...] = idx.reshape(1, 1, _BLK)

    @pl.when(i == 0)
    def _table():
        tbl = e.astype(jnp.bfloat16).astype(jnp.float32)
        table_ref[...] = jnp.concatenate(
            [tbl, jnp.zeros((_N_EMB, _LANES - _DIM), jnp.float32)], axis=1)
        losssum_ref[0, 0] = 0.0

    losssum_ref[0, 0] += jnp.sum(m)

    @pl.when(i == _GRID - 1)
    def _finalize():
        losssum_ref[0, 0] *= 1.0 / float(_TOKENS * _DIM)


_sc_mesh = plsc.VectorSubcoreMesh(core_axis_name="c", subcore_axis_name="s")


@functools.partial(
    pl.kernel,
    mesh=_sc_mesh,
    out_type=jax.ShapeDtypeStruct((_TOKENS, _LANES), jnp.float32),
    scratch_types=[
        pltpu.VMEM((_STREAMS, _ROWS_PER_S), jnp.int32),
        pltpu.VMEM((_ROWS_PER_W, _LANES), jnp.float32),
        pltpu.SemaphoreType.DMA,
    ],
)
def _sc_gather(table_hbm, idx_hbm, out_hbm, idx_v, rows_v, sem):
    wid = lax.axis_index("s") * _NC + lax.axis_index("c")
    blk = wid // (_BLK // _ROWS_PER_W)
    off = (wid % (_BLK // _ROWS_PER_W)) * _ROWS_PER_W
    for j in range(_STREAMS):
        pltpu.sync_copy(
            idx_hbm.at[blk, 0, pl.ds(off + j * _ROWS_PER_S, _ROWS_PER_S)],
            idx_v.at[j])
    copies = [
        pltpu.async_copy(table_hbm.at[idx_v.at[j]],
                         rows_v.at[pl.ds(j * _ROWS_PER_S, _ROWS_PER_S)], sem)
        for j in range(_STREAMS)
    ]
    for c in copies:
        c.wait()
    pltpu.sync_copy(rows_v, out_hbm.at[pl.ds(wid * _ROWS_PER_W, _ROWS_PER_W)])


@jax.jit
def kernel(inputs, embeddings):
    idx2, idxsc, table, losssum = pl.pallas_call(
        _vq_body,
        grid=(_GRID,),
        in_specs=[
            pl.BlockSpec((_BLK // 1024, 1024, _DIM), lambda i: (i, 0, 0)),
            pl.BlockSpec((_N_EMB, _DIM), lambda i: (0, 0)),
        ],
        out_specs=[
            pl.BlockSpec((_BLK, 1), lambda i: (i, 0)),
            pl.BlockSpec((1, 1, _BLK), lambda i: (i, 0, 0)),
            pl.BlockSpec((_N_EMB, _LANES), lambda i: (0, 0)),
            pl.BlockSpec(memory_space=pltpu.SMEM),
        ],
        out_shape=[
            jax.ShapeDtypeStruct((_TOKENS, 1), jnp.int32),
            jax.ShapeDtypeStruct((_GRID, 1, _BLK), jnp.int32),
            jax.ShapeDtypeStruct((_N_EMB, _LANES), jnp.float32),
            jax.ShapeDtypeStruct((1, 1), jnp.float32),
        ],
    )(inputs, embeddings)
    q = _sc_gather(table, idxsc)
    return q[:, :_DIM].reshape(inputs.shape), losssum[0, 0], idx2

# --- scband reference (transcript-rebuilt; emitter-appended) ---
"""Pipeline reference for scband-vector-quantizer-ema-55284819034586 (READ-ONLY COPY).

The authoritative reference and input builder live on the scoring server;
editing this copy changes nothing except your own understanding.
"""

import jax, jax.numpy as jnp
import numpy as np

NUM_EMBEDDINGS = 1024
EMBEDDING_DIM = 64
COMMITMENT_COST = 1.0


def setup_inputs(seed: int = 0) -> dict:
    key = jax.random.key(seed)
    k1, k2 = jax.random.split(key)
    inputs = jax.random.normal(k1, (16, 1024, EMBEDDING_DIM), dtype=jnp.float32)
    # learned codebook (registered buffer 'embeddings' in the torch module)
    embeddings = jax.random.normal(k2, (NUM_EMBEDDINGS, EMBEDDING_DIM), dtype=jnp.float32)
    return {"inputs": inputs, "embeddings": embeddings}


def reference(inputs, embeddings):
    input_shape = inputs.shape
    flat_input = inputs.reshape(-1, EMBEDDING_DIM)
    # squared L2 distances to every codebook entry
    distances = (
        jnp.sum(flat_input ** 2, axis=1, keepdims=True)
        + jnp.sum(embeddings ** 2, axis=1)
        - 2.0 * jnp.matmul(flat_input, embeddings.T)
    )
    encoding_indices = jnp.argmin(distances, axis=1)
    # one-hot encodings, then gather-by-matmul exactly as in the torch code
    encodings = jax.nn.one_hot(encoding_indices, NUM_EMBEDDINGS, dtype=flat_input.dtype)
    quantized = jnp.matmul(encodings, embeddings).reshape(input_shape)
    # commitment loss: mse(quantized.detach(), inputs)
    e_latent_loss = jnp.mean((jax.lax.stop_gradient(quantized) - inputs) ** 2)
    loss = COMMITMENT_COST * e_latent_loss
    # straight-through estimator
    quantized_st = inputs + jax.lax.stop_gradient(quantized - inputs)
    return quantized_st, loss, encoding_indices[:, None]

if __name__ == "__main__":
    import jax
    _d = setup_inputs()
    print(jax.jit(kernel)(*tuple(_d.values())))

</pallas_src>

<mosaic_0001>
#map = affine_map<(d0, d1) -> (0, 0)>
#map1 = affine_map<(d0, d1) -> (0, 0, 0)>
module attributes {stable_mosaic.version = 14 : i64} {
  func.func @_sc_gather(%arg0: i32, %arg1: i32, %arg2: memref<1024x128xf32, #tpu.memory_space<hbm>>, %arg3: memref<8x1x2048xi32, #tpu.memory_space<hbm>>, %arg4: memref<16384x128xf32, #tpu.memory_space<hbm>>, %arg5: memref<4x128xi32, #tpu.memory_space<vmem>>, %arg6: memref<512x128xf32, #tpu.memory_space<vmem>>, %arg7: memref<!tpu.dma_semaphore, #tpu.memory_space<semaphore_mem>>) attributes {dimension_semantics = [#tpu.dimension_semantics<core_parallel>, #tpu.dimension_semantics<subcore_parallel>], iteration_bounds = array<i64: 2, 16>, scalar_prefetch = 0 : i64, scratch_operands = 3 : i64, tpu.core_type = #tpu.core_type<sc_vector_subcore>, window_params = [{transform_indices = #map}, {transform_indices = #map1}, {transform_indices = #map}]} {
    %mul3A = arith.constant 2 : i32
    %mul3A_0 = arith.muli %arg1, %mul3A : i32
    %add3A = arith.addi %mul3A_0, %arg0 : i32
    %jit3A = arith.constant 4 : i32
    %div3A = arith.divsi %add3A, %jit3A : i32
    %sign3A = arith.constant 0 : i32
    %sign3A_1 = arith.cmpi sgt, %add3A, %sign3A : i32
    %sign3A_2 = arith.extui %sign3A_1 : i1 to i32
    %sign3A_3 = arith.constant 0 : i32
    %sign3A_4 = arith.cmpi slt, %add3A, %sign3A_3 : i32
    %sign3A_5 = arith.extui %sign3A_4 : i1 to i32
    %sign3A_6 = arith.subi %sign3A_2, %sign3A_5 : i32
    %sign3A_7 = arith.constant 0 : i32
    %sign3A_8 = arith.cmpi sgt, %jit3A, %sign3A_7 : i32
    %sign3A_9 = arith.extui %sign3A_8 : i1 to i32
    %sign3A_10 = arith.constant 0 : i32
    %sign3A_11 = arith.cmpi slt, %jit3A, %sign3A_10 : i32
    %sign3A_12 = arith.extui %sign3A_11 : i1 to i32
    %sign3A_13 = arith.subi %sign3A_9, %sign3A_12 : i32
    %ne3A = arith.cmpi ne, %sign3A_6, %sign3A_13 : i32
    %rem3A = arith.remsi %add3A, %jit3A : i32
    %ne3A_14 = arith.constant 0 : i32
    %ne3A_15 = arith.cmpi ne, %rem3A, %ne3A_14 : i32
    %and3A = arith.andi %ne3A, %ne3A_15 : i1
    %sub3A = arith.constant 1 : i32
    %sub3A_16 = arith.subi %div3A, %sub3A : i32
    %select_n3A = arith.select %and3A, %sub3A_16, %div3A : i32
    %jit3A_17 = arith.constant 4 : i32
    %eq3A = arith.constant 0 : i32
    %eq3A_18 = arith.cmpi eq, %jit3A_17, %eq3A : i32
    %jit3A_19 = arith.constant 1 : i32
    %select_n3A_20 = arith.select %eq3A_18, %jit3A_19, %jit3A_17 : i32
    %rem3A_21 = arith.remsi %add3A, %select_n3A_20 : i32
    %ne3A_22 = arith.constant 0 : i32
    %ne3A_23 = arith.cmpi ne, %rem3A_21, %ne3A_22 : i32
    %lt3A = arith.constant 0 : i32
    %lt3A_24 = arith.cmpi slt, %rem3A_21, %lt3A : i32
    %lt3A_25 = arith.constant 0 : i32
    %lt3A_26 = arith.cmpi slt, %select_n3A_20, %lt3A_25 : i32
    %ne3A_27 = arith.xori %lt3A_24, %lt3A_26 : i1
    %and3A_28 = arith.andi %ne3A_27, %ne3A_23 : i1
    %add3A_29 = arith.addi %rem3A_21, %select_n3A_20 : i32
    %select_n3A_30 = arith.select %and3A_28, %add3A_29, %rem3A_21 : i32
    %mul3A_31 = arith.constant 512 : i32
    %mul3A_32 = arith.muli %select_n3A_30, %mul3A_31 : i32
    %add3A_33 = arith.constant 0 : i32
    %add3A_34 = arith.addi %mul3A_32, %add3A_33 : i32
    %run_scoped3A = arith.constant 0 : i32
    %run_scoped3A_35 = arith.constant 0 : i32
    "tpu.region"() ({
      %run_scoped3A_128 = tpu.sem_alloc : memref<!tpu.dma_semaphore, #tpu.memory_space<semaphore_mem>>
      %dma_start3A_129 = arith.constant 0 : i32
      %dma_start3A_130 = tpu.memref_slice %arg5[%run_scoped3A_35, %dma_start3A_129] : memref<4x128xi32, #tpu.memory_space<vmem>> -> memref<1x128xi32, #tpu.memory_space<vmem>>
      %dma_start3A_131 = tpu.memref_squeeze %dma_start3A_130 : memref<1x128xi32, #tpu.memory_space<vmem>> -> memref<128xi32, #tpu.memory_space<vmem>>
      %dma_start3A_132 = tpu.memref_slice %arg3[%select_n3A, %run_scoped3A, %add3A_34] : memref<8x1x2048xi32, #tpu.memory_space<hbm>> -> memref<1x1x128xi32, #tpu.memory_space<hbm>>
      %dma_start3A_133 = tpu.memref_squeeze %dma_start3A_132 : memref<1x1x128xi32, #tpu.memory_space<hbm>> -> memref<128xi32, #tpu.memory_space<hbm>>
      %dma_start3A_134 = arith.constant 0 : i32
      %dma_start3A_135 = tpu.memref_slice %arg5[%run_scoped3A_35, %dma_start3A_134] : memref<4x128xi32, #tpu.memory_space<vmem>> -> memref<1x128xi32, #tpu.memory_space<vmem>>
      %dma_start3A_136 = tpu.memref_squeeze %dma_start3A_135 : memref<1x128xi32, #tpu.memory_space<vmem>> -> memref<128xi32, #tpu.memory_space<vmem>>
      %dma_start3A_137 = tpu.memref_slice %arg3[%select_n3A, %run_scoped3A, %add3A_34] : memref<8x1x2048xi32, #tpu.memory_space<hbm>> -> memref<1x1x128xi32, #tpu.memory_space<hbm>>
      %dma_start3A_138 = tpu.memref_squeeze %dma_start3A_137 : memref<1x1x128xi32, #tpu.memory_space<hbm>> -> memref<128xi32, #tpu.memory_space<hbm>>
      tpu.enqueue_dma source(%dma_start3A_138 : memref<128xi32, #tpu.memory_space<hbm>>) target(%dma_start3A_136 : memref<128xi32, #tpu.memory_space<vmem>>) target_semaphore(%run_scoped3A_128 : memref<!tpu.dma_semaphore, #tpu.memory_space<semaphore_mem>>)
      %dma_wait3A_139 = arith.constant 0 : i32
      %dma_wait3A_140 = tpu.memref_slice %arg5[%run_scoped3A_35, %dma_wait3A_139] : memref<4x128xi32, #tpu.memory_space<vmem>> -> memref<1x128xi32, #tpu.memory_space<vmem>>
      %dma_wait3A_141 = tpu.memref_squeeze %dma_wait3A_140 : memref<1x128xi32, #tpu.memory_space<vmem>> -> memref<128xi32, #tpu.memory_space<vmem>>
      %dma_wait3A_142 = tpu.memref_slice %arg3[%select_n3A, %run_scoped3A, %add3A_34] : memref<8x1x2048xi32, #tpu.memory_space<hbm>> -> memref<1x1x128xi32, #tpu.memory_space<hbm>>
      %dma_wait3A_143 = tpu.memref_squeeze %dma_wait3A_142 : memref<1x1x128xi32, #tpu.memory_space<hbm>> -> memref<128xi32, #tpu.memory_space<hbm>>
      %dma_wait3A_144 = arith.constant 0 : i32
      %dma_wait3A_145 = tpu.memref_slice %arg5[%run_scoped3A_35, %dma_wait3A_144] : memref<4x128xi32, #tpu.memory_space<vmem>> -> memref<1x128xi32, #tpu.memory_space<vmem>>
      %dma_wait3A_146 = tpu.memref_squeeze %dma_wait3A_145 : memref<1x128xi32, #tpu.memory_space<vmem>> -> memref<128xi32, #tpu.memory_space<vmem>>
      %dma_wait3A_147 = tpu.memref_slice %arg3[%select_n3A, %run_scoped3A, %add3A_34] : memref<8x1x2048xi32, #tpu.memory_space<hbm>> -> memref<1x1x128xi32, #tpu.memory_space<hbm>>
      %dma_wait3A_148 = tpu.memref_squeeze %dma_wait3A_147 : memref<1x1x128xi32, #tpu.memory_space<hbm>> -> memref<128xi32, #tpu.memory_space<hbm>>
      tpu.wait_dma2 semaphore(%run_scoped3A_128 : memref<!tpu.dma_semaphore, #tpu.memory_space<semaphore_mem>>) src(%dma_wait3A_148 : memref<128xi32, #tpu.memory_space<hbm>>) dst(%dma_wait3A_146 : memref<128xi32, #tpu.memory_space<vmem>>)
      tpu.yield
    }) : () -> ()
    %add3A_36 = arith.constant 128 : i32
    %add3A_37 = arith.addi %mul3A_32, %add3A_36 : i32
    %run_scoped3A_38 = arith.constant 0 : i32
    %run_scoped3A_39 = arith.constant 1 : i32
    "tpu.region"() ({
      %run_scoped3A_128 = tpu.sem_alloc : memref<!tpu.dma_semaphore, #tpu.memory_space<semaphore_mem>>
      %dma_start3A_129 = arith.constant 0 : i32
      %dma_start3A_130 = tpu.memref_slice %arg5[%run_scoped3A_39, %dma_start3A_129] : memref<4x128xi32, #tpu.memory_space<vmem>> -> memref<1x128xi32, #tpu.memory_space<vmem>>
      %dma_start3A_131 = tpu.memref_squeeze %dma_start3A_130 : memref<1x128xi32, #tpu.memory_space<vmem>> -> memref<128xi32, #tpu.memory_space<vmem>>
      %dma_start3A_132 = tpu.memref_slice %arg3[%select_n3A, %run_scoped3A_38, %add3A_37] : memref<8x1x2048xi32, #tpu.memory_space<hbm>> -> memref<1x1x128xi32, #tpu.memory_space<hbm>>
      %dma_start3A_133 = tpu.memref_squeeze %dma_start3A_132 : memref<1x1x128xi32, #tpu.memory_space<hbm>> -> memref<128xi32, #tpu.memory_space<hbm>>
      %dma_start3A_134 = arith.constant 0 : i32
      %dma_start3A_135 = tpu.memref_slice %arg5[%run_scoped3A_39, %dma_start3A_134] : memref<4x128xi32, #tpu.memory_space<vmem>> -> memref<1x128xi32, #tpu.memory_space<vmem>>
      %dma_start3A_136 = tpu.memref_squeeze %dma_start3A_135 : memref<1x128xi32, #tpu.memory_space<vmem>> -> memref<128xi32, #tpu.memory_space<vmem>>
      %dma_start3A_137 = tpu.memref_slice %arg3[%select_n3A, %run_scoped3A_38, %add3A_37] : memref<8x1x2048xi32, #tpu.memory_space<hbm>> -> memref<1x1x128xi32, #tpu.memory_space<hbm>>
      %dma_start3A_138 = tpu.memref_squeeze %dma_start3A_137 : memref<1x1x128xi32, #tpu.memory_space<hbm>> -> memref<128xi32, #tpu.memory_space<hbm>>
      tpu.enqueue_dma source(%dma_start3A_138 : memref<128xi32, #tpu.memory_space<hbm>>) target(%dma_start3A_136 : memref<128xi32, #tpu.memory_space<vmem>>) target_semaphore(%run_scoped3A_128 : memref<!tpu.dma_semaphore, #tpu.memory_space<semaphore_mem>>)
      %dma_wait3A_139 = arith.constant 0 : i32
      %dma_wait3A_140 = tpu.memref_slice %arg5[%run_scoped3A_39, %dma_wait3A_139] : memref<4x128xi32, #tpu.memory_space<vmem>> -> memref<1x128xi32, #tpu.memory_space<vmem>>
      %dma_wait3A_141 = tpu.memref_squeeze %dma_wait3A_140 : memref<1x128xi32, #tpu.memory_space<vmem>> -> memref<128xi32, #tpu.memory_space<vmem>>
      %dma_wait3A_142 = tpu.memref_slice %arg3[%select_n3A, %run_scoped3A_38, %add3A_37] : memref<8x1x2048xi32, #tpu.memory_space<hbm>> -> memref<1x1x128xi32, #tpu.memory_space<hbm>>
      %dma_wait3A_143 = tpu.memref_squeeze %dma_wait3A_142 : memref<1x1x128xi32, #tpu.memory_space<hbm>> -> memref<128xi32, #tpu.memory_space<hbm>>
      %dma_wait3A_144 = arith.constant 0 : i32
      %dma_wait3A_145 = tpu.memref_slice %arg5[%run_scoped3A_39, %dma_wait3A_144] : memref<4x128xi32, #tpu.memory_space<vmem>> -> memref<1x128xi32, #tpu.memory_space<vmem>>
      %dma_wait3A_146 = tpu.memref_squeeze %dma_wait3A_145 : memref<1x128xi32, #tpu.memory_space<vmem>> -> memref<128xi32, #tpu.memory_space<vmem>>
      %dma_wait3A_147 = tpu.memref_slice %arg3[%select_n3A, %run_scoped3A_38, %add3A_37] : memref<8x1x2048xi32, #tpu.memory_space<hbm>> -> memref<1x1x128xi32, #tpu.memory_space<hbm>>
      %dma_wait3A_148 = tpu.memref_squeeze %dma_wait3A_147 : memref<1x1x128xi32, #tpu.memory_space<hbm>> -> memref<128xi32, #tpu.memory_space<hbm>>
      tpu.wait_dma2 semaphore(%run_scoped3A_128 : memref<!tpu.dma_semaphore, #tpu.memory_space<semaphore_mem>>) src(%dma_wait3A_148 : memref<128xi32, #tpu.memory_space<hbm>>) dst(%dma_wait3A_146 : memref<128xi32, #tpu.memory_space<vmem>>)
      tpu.yield
    }) : () -> ()
    %add3A_40 = arith.constant 256 : i32
    %add3A_41 = arith.addi %mul3A_32, %add3A_40 : i32
    %run_scoped3A_42 = arith.constant 0 : i32
    %run_scoped3A_43 = arith.constant 2 : i32
    "tpu.region"() ({
      %run_scoped3A_128 = tpu.sem_alloc : memref<!tpu.dma_semaphore, #tpu.memory_space<semaphore_mem>>
      %dma_start3A_129 = arith.constant 0 : i32
      %dma_start3A_130 = tpu.memref_slice %arg5[%run_scoped3A_43, %dma_start3A_129] : memref<4x128xi32, #tpu.memory_space<vmem>> -> memref<1x128xi32, #tpu.memory_space<vmem>>
      %dma_start3A_131 = tpu.memref_squeeze %dma_start3A_130 : memref<1x128xi32, #tpu.memory_space<vmem>> -> memref<128xi32, #tpu.memory_space<vmem>>
      %dma_start3A_132 = tpu.memref_slice %arg3[%select_n3A, %run_scoped3A_42, %add3A_41] : memref<8x1x2048xi32, #tpu.memory_space<hbm>> -> memref<1x1x128xi32, #tpu.memory_space<hbm>>
      %dma_start3A_133 = tpu.memref_squeeze %dma_start3A_132 : memref<1x1x128xi32, #tpu.memory_space<hbm>> -> memref<128xi32, #tpu.memory_space<hbm>>
      %dma_start3A_134 = arith.constant 0 : i32
      %dma_start3A_135 = tpu.memref_slice %arg5[%run_scoped3A_43, %dma_start3A_134] : memref<4x128xi32, #tpu.memory_space<vmem>> -> memref<1x128xi32, #tpu.memory_space<vmem>>
      %dma_start3A_136 = tpu.memref_squeeze %dma_start3A_135 : memref<1x128xi32, #tpu.memory_space<vmem>> -> memref<128xi32, #tpu.memory_space<vmem>>
      %dma_start3A_137 = tpu.memref_slice %arg3[%select_n3A, %run_scoped3A_42, %add3A_41] : memref<8x1x2048xi32, #tpu.memory_space<hbm>> -> memref<1x1x128xi32, #tpu.memory_space<hbm>>
      %dma_start3A_138 = tpu.memref_squeeze %dma_start3A_137 : memref<1x1x128xi32, #tpu.memory_space<hbm>> -> memref<128xi32, #tpu.memory_space<hbm>>
      tpu.enqueue_dma source(%dma_start3A_138 : memref<128xi32, #tpu.memory_space<hbm>>) target(%dma_start3A_136 : memref<128xi32, #tpu.memory_space<vmem>>) target_semaphore(%run_scoped3A_128 : memref<!tpu.dma_semaphore, #tpu.memory_space<semaphore_mem>>)
      %dma_wait3A_139 = arith.constant 0 : i32
      %dma_wait3A_140 = tpu.memref_slice %arg5[%run_scoped3A_43, %dma_wait3A_139] : memref<4x128xi32, #tpu.memory_space<vmem>> -> memref<1x128xi32, #tpu.memory_space<vmem>>
      %dma_wait3A_141 = tpu.memref_squeeze %dma_wait3A_140 : memref<1x128xi32, #tpu.memory_space<vmem>> -> memref<128xi32, #tpu.memory_space<vmem>>
      %dma_wait3A_142 = tpu.memref_slice %arg3[%select_n3A, %run_scoped3A_42, %add3A_41] : memref<8x1x2048xi32, #tpu.memory_space<hbm>> -> memref<1x1x128xi32, #tpu.memory_space<hbm>>
      %dma_wait3A_143 = tpu.memref_squeeze %dma_wait3A_142 : memref<1x1x128xi32, #tpu.memory_space<hbm>> -> memref<128xi32, #tpu.memory_space<hbm>>
      %dma_wait3A_144 = arith.constant 0 : i32
      %dma_wait3A_145 = tpu.memref_slice %arg5[%run_scoped3A_43, %dma_wait3A_144] : memref<4x128xi32, #tpu.memory_space<vmem>> -> memref<1x128xi32, #tpu.memory_space<vmem>>
      %dma_wait3A_146 = tpu.memref_squeeze %dma_wait3A_145 : memref<1x128xi32, #tpu.memory_space<vmem>> -> memref<128xi32, #tpu.memory_space<vmem>>
      %dma_wait3A_147 = tpu.memref_slice %arg3[%select_n3A, %run_scoped3A_42, %add3A_41] : memref<8x1x2048xi32, #tpu.memory_space<hbm>> -> memref<1x1x128xi32, #tpu.memory_space<hbm>>
      %dma_wait3A_148 = tpu.memref_squeeze %dma_wait3A_147 : memref<1x1x128xi32, #tpu.memory_space<hbm>> -> memref<128xi32, #tpu.memory_space<hbm>>
      tpu.wait_dma2 semaphore(%run_scoped3A_128 : memref<!tpu.dma_semaphore, #tpu.memory_space<semaphore_mem>>) src(%dma_wait3A_148 : memref<128xi32, #tpu.memory_space<hbm>>) dst(%dma_wait3A_146 : memref<128xi32, #tpu.memory_space<vmem>>)
      tpu.yield
    }) : () -> ()
    %add3A_44 = arith.constant 384 : i32
    %add3A_45 = arith.addi %mul3A_32, %add3A_44 : i32
    %run_scoped3A_46 = arith.constant 0 : i32
    %run_scoped3A_47 = arith.constant 3 : i32
    "tpu.region"() ({
      %run_scoped3A_128 = tpu.sem_alloc : memref<!tpu.dma_semaphore, #tpu.memory_space<semaphore_mem>>
      %dma_start3A_129 = arith.constant 0 : i32
      %dma_start3A_130 = tpu.memref_slice %arg5[%run_scoped3A_47, %dma_start3A_129] : memref<4x128xi32, #tpu.memory_space<vmem>> -> memref<1x128xi32, #tpu.memory_space<vmem>>
      %dma_start3A_131 = tpu.memref_squeeze %dma_start3A_130 : memref<1x128xi32, #tpu.memory_space<vmem>> -> memref<128xi32, #tpu.memory_space<vmem>>
      %dma_start3A_132 = tpu.memref_slice %arg3[%select_n3A, %run_scoped3A_46, %add3A_45] : memref<8x1x2048xi32, #tpu.memory_space<hbm>> -> memref<1x1x128xi32, #tpu.memory_space<hbm>>
      %dma_start3A_133 = tpu.memref_squeeze %dma_start3A_132 : memref<1x1x128xi32, #tpu.memory_space<hbm>> -> memref<128xi32, #tpu.memory_space<hbm>>
      %dma_start3A_134 = arith.constant 0 : i32
      %dma_start3A_135 = tpu.memref_slice %arg5[%run_scoped3A_47, %dma_start3A_134] : memref<4x128xi32, #tpu.memory_space<vmem>> -> memref<1x128xi32, #tpu.memory_space<vmem>>
      %dma_start3A_136 = tpu.memref_squeeze %dma_start3A_135 : memref<1x128xi32, #tpu.memory_space<vmem>> -> memref<128xi32, #tpu.memory_space<vmem>>
      %dma_start3A_137 = tpu.memref_slice %arg3[%select_n3A, %run_scoped3A_46, %add3A_45] : memref<8x1x2048xi32, #tpu.memory_space<hbm>> -> memref<1x1x128xi32, #tpu.memory_space<hbm>>
      %dma_start3A_138 = tpu.memref_squeeze %dma_start3A_137 : memref<1x1x128xi32, #tpu.memory_space<hbm>> -> memref<128xi32, #tpu.memory_space<hbm>>
      tpu.enqueue_dma source(%dma_start3A_138 : memref<128xi32, #tpu.memory_space<hbm>>) target(%dma_start3A_136 : memref<128xi32, #tpu.memory_space<vmem>>) target_semaphore(%run_scoped3A_128 : memref<!tpu.dma_semaphore, #tpu.memory_space<semaphore_mem>>)
      %dma_wait3A_139 = arith.constant 0 : i32
      %dma_wait3A_140 = tpu.memref_slice %arg5[%run_scoped3A_47, %dma_wait3A_139] : memref<4x128xi32, #tpu.memory_space<vmem>> -> memref<1x128xi32, #tpu.memory_space<vmem>>
      %dma_wait3A_141 = tpu.memref_squeeze %dma_wait3A_140 : memref<1x128xi32, #tpu.memory_space<vmem>> -> memref<128xi32, #tpu.memory_space<vmem>>
      %dma_wait3A_142 = tpu.memref_slice %arg3[%select_n3A, %run_scoped3A_46, %add3A_45] : memref<8x1x2048xi32, #tpu.memory_space<hbm>> -> memref<1x1x128xi32, #tpu.memory_space<hbm>>
      %dma_wait3A_143 = tpu.memref_squeeze %dma_wait3A_142 : memref<1x1x128xi32, #tpu.memory_space<hbm>> -> memref<128xi32, #tpu.memory_space<hbm>>
      %dma_wait3A_144 = arith.constant 0 : i32
      %dma_wait3A_145 = tpu.memref_slice %arg5[%run_scoped3A_47, %dma_wait3A_144] : memref<4x128xi32, #tpu.memory_space<vmem>> -> memref<1x128xi32, #tpu.memory_space<vmem>>
      %dma_wait3A_146 = tpu.memref_squeeze %dma_wait3A_145 : memref<1x128xi32, #tpu.memory_space<vmem>> -> memref<128xi32, #tpu.memory_space<vmem>>
      %dma_wait3A_147 = tpu.memref_slice %arg3[%select_n3A, %run_scoped3A_46, %add3A_45] : memref<8x1x2048xi32, #tpu.memory_space<hbm>> -> memref<1x1x128xi32, #tpu.memory_space<hbm>>
      %dma_wait3A_148 = tpu.memref_squeeze %dma_wait3A_147 : memref<1x1x128xi32, #tpu.memory_space<hbm>> -> memref<128xi32, #tpu.memory_space<hbm>>
      tpu.wait_dma2 semaphore(%run_scoped3A_128 : memref<!tpu.dma_semaphore, #tpu.memory_space<semaphore_mem>>) src(%dma_wait3A_148 : memref<128xi32, #tpu.memory_space<hbm>>) dst(%dma_wait3A_146 : memref<128xi32, #tpu.memory_space<vmem>>)
      tpu.yield
    }) : () -> ()
    %dma_start3A = arith.constant 0 : i32
    %dma_start3A_48 = arith.constant 0 : i32
    %dma_start3A_49 = arith.constant 0 : i32
    %dma_start3A_50 = tpu.memref_slice %arg6[%dma_start3A_48, %dma_start3A_49] : memref<512x128xf32, #tpu.memory_space<vmem>> -> memref<128x128xf32, #tpu.memory_space<vmem>>
    %dma_start3A_51 = arith.constant 0 : i32
    %dma_start3A_52 = tpu.memref_slice %arg5[%dma_start3A, %dma_start3A_51] : memref<4x128xi32, #tpu.memory_space<vmem>> -> memref<1x128xi32, #tpu.memory_space<vmem>>
    %dma_start3A_53 = tpu.memref_squeeze %dma_start3A_52 : memref<1x128xi32, #tpu.memory_space<vmem>> -> memref<128xi32, #tpu.memory_space<vmem>>
    %dma_start3A_54 = arith.constant 0 : i32
    %dma_start3A_55 = arith.constant 0 : i32
    %dma_start3A_56 = tpu.memref_slice %arg2[%dma_start3A_54, %dma_start3A_55] : memref<1024x128xf32, #tpu.memory_space<hbm>> -> memref<1024x128xf32, #tpu.memory_space<hbm>>
    tpu.enqueue_indirect_dma source(%dma_start3A_56 : memref<1024x128xf32, #tpu.memory_space<hbm>>) target(%dma_start3A_50 : memref<128x128xf32, #tpu.memory_space<vmem>>) offsets(%dma_start3A_53 : memref<128xi32, #tpu.memory_space<vmem>>) semaphore(%arg7 : memref<!tpu.dma_semaphore, #tpu.memory_space<semaphore_mem>>)
    %dma_start3A_57 = arith.constant 1 : i32
    %dma_start3A_58 = arith.constant 128 : i32
    %dma_start3A_59 = arith.constant 0 : i32
    %dma_start3A_60 = tpu.memref_slice %arg6[%dma_start3A_58, %dma_start3A_59] : memref<512x128xf32, #tpu.memory_space<vmem>> -> memref<128x128xf32, #tpu.memory_space<vmem>>
    %dma_start3A_61 = arith.constant 0 : i32
    %dma_start3A_62 = tpu.memref_slice %arg5[%dma_start3A_57, %dma_start3A_61] : memref<4x128xi32, #tpu.memory_space<vmem>> -> memref<1x128xi32, #tpu.memory_space<vmem>>
    %dma_start3A_63 = tpu.memref_squeeze %dma_start3A_62 : memref<1x128xi32, #tpu.memory_space<vmem>> -> memref<128xi32, #tpu.memory_space<vmem>>
    %dma_start3A_64 = arith.constant 0 : i32
    %dma_start3A_65 = arith.constant 0 : i32
    %dma_start3A_66 = tpu.memref_slice %arg2[%dma_start3A_64, %dma_start3A_65] : memref<1024x128xf32, #tpu.memory_space<hbm>> -> memref<1024x128xf32, #tpu.memory_space<hbm>>
    tpu.enqueue_indirect_dma source(%dma_start3A_66 : memref<1024x128xf32, #tpu.memory_space<hbm>>) target(%dma_start3A_60 : memref<128x128xf32, #tpu.memory_space<vmem>>) offsets(%dma_start3A_63 : memref<128xi32, #tpu.memory_space<vmem>>) semaphore(%arg7 : memref<!tpu.dma_semaphore, #tpu.memory_space<semaphore_mem>>)
    %dma_start3A_67 = arith.constant 2 : i32
    %dma_start3A_68 = arith.constant 256 : i32
    %dma_start3A_69 = arith.constant 0 : i32
    %dma_start3A_70 = tpu.memref_slice %arg6[%dma_start3A_68, %dma_start3A_69] : memref<512x128xf32, #tpu.memory_space<vmem>> -> memref<128x128xf32, #tpu.memory_space<vmem>>
    %dma_start3A_71 = arith.constant 0 : i32
    %dma_start3A_72 = tpu.memref_slice %arg5[%dma_start3A_67, %dma_start3A_71] : memref<4x128xi32, #tpu.memory_space<vmem>> -> memref<1x128xi32, #tpu.memory_space<vmem>>
    %dma_start3A_73 = tpu.memref_squeeze %dma_start3A_72 : memref<1x128xi32, #tpu.memory_space<vmem>> -> memref<128xi32, #tpu.memory_space<vmem>>
    %dma_start3A_74 = arith.constant 0 : i32
    %dma_start3A_75 = arith.constant 0 : i32
    %dma_start3A_76 = tpu.memref_slice %arg2[%dma_start3A_74, %dma_start3A_75] : memref<1024x128xf32, #tpu.memory_space<hbm>> -> memref<1024x128xf32, #tpu.memory_space<hbm>>
    tpu.enqueue_indirect_dma source(%dma_start3A_76 : memref<1024x128xf32, #tpu.memory_space<hbm>>) target(%dma_start3A_70 : memref<128x128xf32, #tpu.memory_space<vmem>>) offsets(%dma_start3A_73 : memref<128xi32, #tpu.memory_space<vmem>>) semaphore(%arg7 : memref<!tpu.dma_semaphore, #tpu.memory_space<semaphore_mem>>)
    %dma_start3A_77 = arith.constant 3 : i32
    %dma_start3A_78 = arith.constant 384 : i32
    %dma_start3A_79 = arith.constant 0 : i32
    %dma_start3A_80 = tpu.memref_slice %arg6[%dma_start3A_78, %dma_start3A_79] : memref<512x128xf32, #tpu.memory_space<vmem>> -> memref<128x128xf32, #tpu.memory_space<vmem>>
    %dma_start3A_81 = arith.constant 0 : i32
    %dma_start3A_82 = tpu.memref_slice %arg5[%dma_start3A_77, %dma_start3A_81] : memref<4x128xi32, #tpu.memory_space<vmem>> -> memref<1x128xi32, #tpu.memory_space<vmem>>
    %dma_start3A_83 = tpu.memref_squeeze %dma_start3A_82 : memref<1x128xi32, #tpu.memory_space<vmem>> -> memref<128xi32, #tpu.memory_space<vmem>>
    %dma_start3A_84 = arith.constant 0 : i32
    %dma_start3A_85 = arith.constant 0 : i32
    %dma_start3A_86 = tpu.memref_slice %arg2[%dma_start3A_84, %dma_start3A_85] : memref<1024x128xf32, #tpu.memory_space<hbm>> -> memref<1024x128xf32, #tpu.memory_space<hbm>>
    tpu.enqueue_indirect_dma source(%dma_start3A_86 : memref<1024x128xf32, #tpu.memory_space<hbm>>) target(%dma_start3A_80 : memref<128x128xf32, #tpu.memory_space<vmem>>) offsets(%dma_start3A_83 : memref<128xi32, #tpu.memory_space<vmem>>) semaphore(%arg7 : memref<!tpu.dma_semaphore, #tpu.memory_space<semaphore_mem>>)
    %dma_wait3A = arith.constant 0 : i32
    %dma_wait3A_87 = arith.constant 0 : i32
    %dma_wait3A_88 = arith.constant 0 : i32
    %dma_wait3A_89 = tpu.memref_slice %arg6[%dma_wait3A_87, %dma_wait3A_88] : memref<512x128xf32, #tpu.memory_space<vmem>> -> memref<128x128xf32, #tpu.memory_space<vmem>>
    %dma_wait3A_90 = arith.constant 0 : i32
    %dma_wait3A_91 = tpu.memref_slice %arg5[%dma_wait3A, %dma_wait3A_90] : memref<4x128xi32, #tpu.memory_space<vmem>> -> memref<1x128xi32, #tpu.memory_space<vmem>>
    %dma_wait3A_92 = tpu.memref_squeeze %dma_wait3A_91 : memref<1x128xi32, #tpu.memory_space<vmem>> -> memref<128xi32, #tpu.memory_space<vmem>>
    %dma_wait3A_93 = arith.constant 0 : i32
    %dma_wait3A_94 = arith.constant 0 : i32
    %dma_wait3A_95 = tpu.memref_slice %arg2[%dma_wait3A_93, %dma_wait3A_94] : memref<1024x128xf32, #tpu.memory_space<hbm>> -> memref<1024x128xf32, #tpu.memory_space<hbm>>
    tpu.wait_indirect_dma semaphore(%arg7 : memref<!tpu.dma_semaphore, #tpu.memory_space<semaphore_mem>>) src(%dma_wait3A_95 : memref<1024x128xf32, #tpu.memory_space<hbm>>) dst(%dma_wait3A_89 : memref<128x128xf32, #tpu.memory_space<vmem>>)
    %dma_wait3A_96 = arith.constant 1 : i32
    %dma_wait3A_97 = arith.constant 128 : i32
    %dma_wait3A_98 = arith.constant 0 : i32
    %dma_wait3A_99 = tpu.memref_slice %arg6[%dma_wait3A_97, %dma_wait3A_98] : memref<512x128xf32, #tpu.memory_space<vmem>> -> memref<128x128xf32, #tpu.memory_space<vmem>>
    %dma_wait3A_100 = arith.constant 0 : i32
    %dma_wait3A_101 = tpu.memref_slice %arg5[%dma_wait3A_96, %dma_wait3A_100] : memref<4x128xi32, #tpu.memory_space<vmem>> -> memref<1x128xi32, #tpu.memory_space<vmem>>
    %dma_wait3A_102 = tpu.memref_squeeze %dma_wait3A_101 : memref<1x128xi32, #tpu.memory_space<vmem>> -> memref<128xi32, #tpu.memory_space<vmem>>
    %dma_wait3A_103 = arith.constant 0 : i32
    %dma_wait3A_104 = arith.constant 0 : i32
    %dma_wait3A_105 = tpu.memref_slice %arg2[%dma_wait3A_103, %dma_wait3A_104] : memref<1024x128xf32, #tpu.memory_space<hbm>> -> memref<1024x128xf32, #tpu.memory_space<hbm>>
    tpu.wait_indirect_dma semaphore(%arg7 : memref<!tpu.dma_semaphore, #tpu.memory_space<semaphore_mem>>) src(%dma_wait3A_105 : memref<1024x128xf32, #tpu.memory_space<hbm>>) dst(%dma_wait3A_99 : memref<128x128xf32, #tpu.memory_space<vmem>>)
    %dma_wait3A_106 = arith.constant 2 : i32
    %dma_wait3A_107 = arith.constant 256 : i32
    %dma_wait3A_108 = arith.constant 0 : i32
    %dma_wait3A_109 = tpu.memref_slice %arg6[%dma_wait3A_107, %dma_wait3A_108] : memref<512x128xf32, #tpu.memory_space<vmem>> -> memref<128x128xf32, #tpu.memory_space<vmem>>
    %dma_wait3A_110 = arith.constant 0 : i32
    %dma_wait3A_111 = tpu.memref_slice %arg5[%dma_wait3A_106, %dma_wait3A_110] : memref<4x128xi32, #tpu.memory_space<vmem>> -> memref<1x128xi32, #tpu.memory_space<vmem>>
    %dma_wait3A_112 = tpu.memref_squeeze %dma_wait3A_111 : memref<1x128xi32, #tpu.memory_space<vmem>> -> memref<128xi32, #tpu.memory_space<vmem>>
    %dma_wait3A_113 = arith.constant 0 : i32
    %dma_wait3A_114 = arith.constant 0 : i32
    %dma_wait3A_115 = tpu.memref_slice %arg2[%dma_wait3A_113, %dma_wait3A_114] : memref<1024x128xf32, #tpu.memory_space<hbm>> -> memref<1024x128xf32, #tpu.memory_space<hbm>>
    tpu.wait_indirect_dma semaphore(%arg7 : memref<!tpu.dma_semaphore, #tpu.memory_space<semaphore_mem>>) src(%dma_wait3A_115 : memref<1024x128xf32, #tpu.memory_space<hbm>>) dst(%dma_wait3A_109 : memref<128x128xf32, #tpu.memory_space<vmem>>)
    %dma_wait3A_116 = arith.constant 3 : i32
    %dma_wait3A_117 = arith.constant 384 : i32
    %dma_wait3A_118 = arith.constant 0 : i32
    %dma_wait3A_119 = tpu.memref_slice %arg6[%dma_wait3A_117, %dma_wait3A_118] : memref<512x128xf32, #tpu.memory_space<vmem>> -> memref<128x128xf32, #tpu.memory_space<vmem>>
    %dma_wait3A_120 = arith.constant 0 : i32
    %dma_wait3A_121 = tpu.memref_slice %arg5[%dma_wait3A_116, %dma_wait3A_120] : memref<4x128xi32, #tpu.memory_space<vmem>> -> memref<1x128xi32, #tpu.memory_space<vmem>>
    %dma_wait3A_122 = tpu.memref_squeeze %dma_wait3A_121 : memref<1x128xi32, #tpu.memory_space<vmem>> -> memref<128xi32, #tpu.memory_space<vmem>>
    %dma_wait3A_123 = arith.constant 0 : i32
    %dma_wait3A_124 = arith.constant 0 : i32
    %dma_wait3A_125 = tpu.memref_slice %arg2[%dma_wait3A_123, %dma_wait3A_124] : memref<1024x128xf32, #tpu.memory_space<hbm>> -> memref<1024x128xf32, #tpu.memory_space<hbm>>
    tpu.wait_indirect_dma semaphore(%arg7 : memref<!tpu.dma_semaphore, #tpu.memory_space<semaphore_mem>>) src(%dma_wait3A_125 : memref<1024x128xf32, #tpu.memory_space<hbm>>) dst(%dma_wait3A_119 : memref<128x128xf32, #tpu.memory_space<vmem>>)
    %mul3A_126 = arith.constant 512 : i32
    %mul3A_127 = arith.muli %add3A, %mul3A_126 : i32
    "tpu.region"() ({
      %run_scoped3A_128 = tpu.sem_alloc : memref<!tpu.dma_semaphore, #tpu.memory_space<semaphore_mem>>
      %dma_start3A_129 = arith.constant 0 : i32
      %dma_start3A_130 = tpu.memref_slice %arg4[%mul3A_127, %dma_start3A_129] : memref<16384x128xf32, #tpu.memory_space<hbm>> -> memref<512x128xf32, #tpu.memory_space<hbm>>
      %dma_start3A_131 = arith.constant 0 : i32
      %dma_start3A_132 = tpu.memref_slice %arg4[%mul3A_127, %dma_start3A_131] : memref<16384x128xf32, #tpu.memory_space<hbm>> -> memref<512x128xf32, #tpu.memory_space<hbm>>
      tpu.enqueue_dma source(%arg6 : memref<512x128xf32, #tpu.memory_space<vmem>>) target(%dma_start3A_132 : memref<512x128xf32, #tpu.memory_space<hbm>>) target_semaphore(%run_scoped3A_128 : memref<!tpu.dma_semaphore, #tpu.memory_space<semaphore_mem>>)
      %dma_wait3A_133 = arith.constant 0 : i32
      %dma_wait3A_134 = tpu.memref_slice %arg4[%mul3A_127, %dma_wait3A_133] : memref<16384x128xf32, #tpu.memory_space<hbm>> -> memref<512x128xf32, #tpu.memory_space<hbm>>
      %dma_wait3A_135 = arith.constant 0 : i32
      %dma_wait3A_136 = tpu.memref_slice %arg4[%mul3A_127, %dma_wait3A_135] : memref<16384x128xf32, #tpu.memory_space<hbm>> -> memref<512x128xf32, #tpu.memory_space<hbm>>
      tpu.wait_dma2 semaphore(%run_scoped3A_128 : memref<!tpu.dma_semaphore, #tpu.memory_space<semaphore_mem>>) src(%arg6 : memref<512x128xf32, #tpu.memory_space<vmem>>) dst(%dma_wait3A_136 : memref<512x128xf32, #tpu.memory_space<hbm>>)
      tpu.yield
    }) : () -> ()
    return
  }
}

module attributes {stable_mosaic.version = 14 : i64} {
  func.func @_vq_body(%arg0: i32, %arg1: memref<2x1024x64xf32, #tpu.memory_space<vmem>>, %arg2: memref<1024x64xf32, #tpu.memory_space<vmem>>, %arg3: memref<2048x1xi32, #tpu.memory_space<vmem>>, %arg4: memref<1x1x2048xi32, #tpu.memory_space<vmem>>, %arg5: memref<1024x128xf32, #tpu.memory_space<vmem>>, %arg6: memref<1x1xf32, #tpu.memory_space<smem>>) attributes {dimension_semantics = [#tpu.dimension_semantics<arbitrary>], iteration_bounds = array<i64: 8>, scalar_prefetch = 0 : i64, scratch_operands = 0 : i64, tpu.core_type = #tpu.core_type<tc>, window_params = [{transform_indices = @transform_0, window_bounds = array<i64: 2, 1024, 64>}, {pipeline_mode = #tpu.pipeline_mode<synchronous>, transform_indices = @transform_1, window_bounds = array<i64: 1024, 64>}, {transform_indices = @transform_2, window_bounds = array<i64: 2048, 1>}, {transform_indices = @transform_3, window_bounds = array<i64: 1, 1, 2048>}, {pipeline_mode = #tpu.pipeline_mode<synchronous>, transform_indices = @transform_4, window_bounds = array<i64: 1024, 128>}, {transform_indices = @transform_5, window_bounds = array<i64: 1, 1>}]} {
    %get3A = arith.constant 0 : index
    %get3A_0 = arith.constant 0 : index
    %get3A_1 = arith.constant 0 : index
    %get3A_2 = vector.load %arg1[%get3A, %get3A_0, %get3A_1] : memref<2x1024x64xf32, #tpu.memory_space<vmem>>, vector<2x1024x64xf32>
    %reshape3A = vector.shape_cast %get3A_2 : vector<2x1024x64xf32> to vector<2048x64xf32>
    %get3A_3 = arith.constant 0 : index
    %get3A_4 = arith.constant 0 : index
    %get3A_5 = vector.load %arg2[%get3A_3, %get3A_4] : memref<1024x64xf32, #tpu.memory_space<vmem>>, vector<1024x64xf32>
    %mul3A = arith.mulf %reshape3A, %reshape3A : vector<2048x64xf32>
    %reduce_sum3A = arith.constant dense<0.000000e+00> : vector<2048xf32>
    %reduce_sum3A_6 = vector.multi_reduction <add>, %mul3A, %reduce_sum3A [1] : vector<2048x64xf32> to vector<2048xf32>
    %broadcast_in_dim3A = vector.shape_cast %reduce_sum3A_6 : vector<2048xf32> to vector<2048x1xf32>
    %mul3A_7 = arith.mulf %get3A_5, %get3A_5 : vector<1024x64xf32>
    %reduce_sum3A_8 = arith.constant dense<0.000000e+00> : vector<1024xf32>
    %reduce_sum3A_9 = vector.multi_reduction <add>, %mul3A_7, %reduce_sum3A_8 [1] : vector<1024x64xf32> to vector<1024xf32>
    %mul3A_10 = arith.constant -2.000000e+00 : f32
    %mul3A_11 = vector.broadcast %mul3A_10 : f32 to vector<2048x64xf32>
    %mul3A_12 = arith.mulf %reshape3A, %mul3A_11 : vector<2048x64xf32>
    %dot_general3A = arith.constant dense<0.000000e+00> : vector<2048x1024xf32>
    %dot_general3A_13 = tpu.matmul %mul3A_12, %get3A_5, %dot_general3A {dimension_numbers = #tpu.dot_dimension_numbers<[1], [1], [0], [0], [0, 0, 1, 0], [], []>, transpose_lhs_hint = false} : vector<2048x64xf32>, vector<1024x64xf32>, vector<2048x1024xf32> -> vector<2048x1024xf32>
    %broadcast_in_dim3A_14 = vector.shape_cast %reduce_sum3A_9 : vector<1024xf32> to vector<1x1024xf32>
    %add3A = vector.broadcast %broadcast_in_dim3A : vector<2048x1xf32> to vector<2048x1024xf32>
    %add3A_15 = vector.broadcast %broadcast_in_dim3A_14 : vector<1x1024xf32> to vector<2048x1024xf32>
    %add3A_16 = arith.addf %add3A, %add3A_15 : vector<2048x1024xf32>
    %add3A_17 = arith.addf %add3A_16, %dot_general3A_13 : vector<2048x1024xf32>
    %slice3A = vector.extract_strided_slice %add3A_17 {offsets = [0, 0], sizes = [2048, 128], strides = [1, 1]} : vector<2048x1024xf32> to vector<2048x128xf32>
    %broadcast_in_dim3A_18 = arith.constant 0 : i32
    %broadcast_in_dim3A_19 = vector.broadcast %broadcast_in_dim3A_18 : i32 to vector<2048x128xi32>
    %slice3A_20 = vector.extract_strided_slice %add3A_17 {offsets = [0, 128], sizes = [2048, 128], strides = [1, 1]} : vector<2048x1024xf32> to vector<2048x128xf32>
    %lt3A = arith.cmpf olt, %slice3A_20, %slice3A : vector<2048x128xf32>
    %select_n3A = arith.select %lt3A, %slice3A_20, %slice3A : vector<2048x128xi1>, vector<2048x128xf32>
    %jit3A = arith.constant 1 : i32
    %broadcast_in_dim3A_21 = vector.broadcast %jit3A : i32 to vector<2048x128xi32>
    %select_n3A_22 = arith.select %lt3A, %broadcast_in_dim3A_21, %broadcast_in_dim3A_19 : vector<2048x128xi1>, vector<2048x128xi32>
    %slice3A_23 = vector.extract_strided_slice %add3A_17 {offsets = [0, 256], sizes = [2048, 128], strides = [1, 1]} : vector<2048x1024xf32> to vector<2048x128xf32>
    %lt3A_24 = arith.cmpf olt, %slice3A_23, %select_n3A : vector<2048x128xf32>
    %select_n3A_25 = arith.select %lt3A_24, %slice3A_23, %select_n3A : vector<2048x128xi1>, vector<2048x128xf32>
    %jit3A_26 = arith.constant 2 : i32
    %broadcast_in_dim3A_27 = vector.broadcast %jit3A_26 : i32 to vector<2048x128xi32>
    %select_n3A_28 = arith.select %lt3A_24, %broadcast_in_dim3A_27, %select_n3A_22 : vector<2048x128xi1>, vector<2048x128xi32>
    %slice3A_29 = vector.extract_strided_slice %add3A_17 {offsets = [0, 384], sizes = [2048, 128], strides = [1, 1]} : vector<2048x1024xf32> to vector<2048x128xf32>
    %lt3A_30 = arith.cmpf olt, %slice3A_29, %select_n3A_25 : vector<2048x128xf32>
    %select_n3A_31 = arith.select %lt3A_30, %slice3A_29, %select_n3A_25 : vector<2048x128xi1>, vector<2048x128xf32>
    %jit3A_32 = arith.constant 3 : i32
    %broadcast_in_dim3A_33 = vector.broadcast %jit3A_32 : i32 to vector<2048x128xi32>
    %select_n3A_34 = arith.select %lt3A_30, %broadcast_in_dim3A_33, %select_n3A_28 : vector<2048x128xi1>, vector<2048x128xi32>
    %slice3A_35 = vector.extract_strided_slice %add3A_17 {offsets = [0, 512], sizes = [2048, 128], strides = [1, 1]} : vector<2048x1024xf32> to vector<2048x128xf32>
    %lt3A_36 = arith.cmpf olt, %slice3A_35, %select_n3A_31 : vector<2048x128xf32>
    %select_n3A_37 = arith.select %lt3A_36, %slice3A_35, %select_n3A_31 : vector<2048x128xi1>, vector<2048x128xf32>
    %jit3A_38 = arith.constant 4 : i32
    %broadcast_in_dim3A_39 = vector.broadcast %jit3A_38 : i32 to vector<2048x128xi32>
    %select_n3A_40 = arith.select %lt3A_36, %broadcast_in_dim3A_39, %select_n3A_34 : vector<2048x128xi1>, vector<2048x128xi32>
    %slice3A_41 = vector.extract_strided_slice %add3A_17 {offsets = [0, 640], sizes = [2048, 128], strides = [1, 1]} : vector<2048x1024xf32> to vector<2048x128xf32>
    %lt3A_42 = arith.cmpf olt, %slice3A_41, %select_n3A_37 : vector<2048x128xf32>
    %select_n3A_43 = arith.select %lt3A_42, %slice3A_41, %select_n3A_37 : vector<2048x128xi1>, vector<2048x128xf32>
    %jit3A_44 = arith.constant 5 : i32
    %broadcast_in_dim3A_45 = vector.broadcast %jit3A_44 : i32 to vector<2048x128xi32>
    %select_n3A_46 = arith.select %lt3A_42, %broadcast_in_dim3A_45, %select_n3A_40 : vector<2048x128xi1>, vector<2048x128xi32>
    %slice3A_47 = vector.extract_strided_slice %add3A_17 {offsets = [0, 768], sizes = [2048, 128], strides = [1, 1]} : vector<2048x1024xf32> to vector<2048x128xf32>
    %lt3A_48 = arith.cmpf olt, %slice3A_47, %select_n3A_43 : vector<2048x128xf32>
    %select_n3A_49 = arith.select %lt3A_48, %slice3A_47, %select_n3A_43 : vector<2048x128xi1>, vector<2048x128xf32>
    %jit3A_50 = arith.constant 6 : i32
    %broadcast_in_dim3A_51 = vector.broadcast %jit3A_50 : i32 to vector<2048x128xi32>
    %select_n3A_52 = arith.select %lt3A_48, %broadcast_in_dim3A_51, %select_n3A_46 : vector<2048x128xi1>, vector<2048x128xi32>
    %slice3A_53 = vector.extract_strided_slice %add3A_17 {offsets = [0, 896], sizes = [2048, 128], strides = [1, 1]} : vector<2048x1024xf32> to vector<2048x128xf32>
    %lt3A_54 = arith.cmpf olt, %slice3A_53, %select_n3A_49 : vector<2048x128xf32>
    %select_n3A_55 = arith.select %lt3A_54, %slice3A_53, %select_n3A_49 : vector<2048x128xi1>, vector<2048x128xf32>
    %jit3A_56 = arith.constant 7 : i32
    %broadcast_in_dim3A_57 = vector.broadcast %jit3A_56 : i32 to vector<2048x128xi32>
    %select_n3A_58 = arith.select %lt3A_54, %broadcast_in_dim3A_57, %select_n3A_52 : vector<2048x128xi1>, vector<2048x128xi32>
    %reduce_min3A = arith.constant dense<0x7F800000> : vector<2048xf32>
    %reduce_min3A_59 = vector.multi_reduction <minimumf>, %select_n3A_55, %reduce_min3A [1] : vector<2048x128xf32> to vector<2048xf32>
    %broadcast_in_dim3A_60 = vector.shape_cast %reduce_min3A_59 : vector<2048xf32> to vector<2048x1xf32>
    %iota3A = tpu.iota {dimensions = array<i32: 1>} : vector<2048x128xi32>
    %eq3A = vector.broadcast %broadcast_in_dim3A_60 : vector<2048x1xf32> to vector<2048x128xf32>
    %eq3A_61 = arith.cmpf oeq, %select_n3A_55, %eq3A : vector<2048x128xf32>
    %mul3A_62 = arith.constant 128 : i32
    %mul3A_63 = vector.broadcast %mul3A_62 : i32 to vector<2048x128xi32>
    %mul3A_64 = arith.muli %select_n3A_58, %mul3A_63 : vector<2048x128xi32>
    %add3A_65 = arith.addi %mul3A_64, %iota3A : vector<2048x128xi32>
    %jit3A_66 = arith.constant 1024 : i32
    %broadcast_in_dim3A_67 = vector.broadcast %jit3A_66 : i32 to vector<2048x128xi32>
    %select_n3A_68 = arith.select %eq3A_61, %add3A_65, %broadcast_in_dim3A_67 : vector<2048x128xi1>, vector<2048x128xi32>
    %reduce_min3A_69 = arith.constant dense<2147483647> : vector<2048xi32>
    %reduce_min3A_70 = vector.multi_reduction <minsi>, %select_n3A_68, %reduce_min3A_69 [1] : vector<2048x128xi32> to vector<2048xi32>
    %reshape3A_71 = vector.shape_cast %reduce_min3A_70 : vector<2048xi32> to vector<2048x1xi32>
    %swap3A = arith.constant 0 : index
    %swap3A_72 = arith.constant 0 : index
    %swap3A_73 = vector.load %arg3[%swap3A, %swap3A_72] : memref<2048x1xi32, #tpu.memory_space<vmem>>, vector<2048x1xi32>
    tpu.vector_store %arg3[%swap3A, %swap3A_72], %reshape3A_71 {strides = array<i32>} : memref<2048x1xi32, #tpu.memory_space<vmem>>, vector<2048x1xi32>,
    %reshape3A_74 = vector.shape_cast %reduce_min3A_70 : vector<2048xi32> to vector<1x1x2048xi32>
    %swap3A_75 = arith.constant 0 : index
    %swap3A_76 = arith.constant 0 : index
    %swap3A_77 = arith.constant 0 : index
    %swap3A_78 = vector.load %arg4[%swap3A_75, %swap3A_76, %swap3A_77] : memref<1x1x2048xi32, #tpu.memory_space<vmem>>, vector<1x1x2048xi32>
    tpu.vector_store %arg4[%swap3A_75, %swap3A_76, %swap3A_77], %reshape3A_74 {strides = array<i32>} : memref<1x1x2048xi32, #tpu.memory_space<vmem>>, vector<1x1x2048xi32>,
    %eq3A_79 = arith.constant 0 : i32
    %eq3A_80 = arith.cmpi eq, %arg0, %eq3A_79 : i32
    %convert_element_type3A = arith.extui %eq3A_80 : i1 to i32
    %cond3A = arith.constant 0 : i32
    %cond3A_81 = arith.cmpi ne, %convert_element_type3A, %cond3A : i32
    scf.if %cond3A_81 {
      %convert_element_type3A_99 = arith.truncf %get3A_5 : vector<1024x64xf32> to vector<1024x64xbf16>
      %convert_element_type3A_100 = arith.extf %convert_element_type3A_99 : vector<1024x64xbf16> to vector<1024x64xf32>
      %broadcast_in_dim3A_101 = arith.constant 0.000000e+00 : f32
      %broadcast_in_dim3A_102 = vector.broadcast %broadcast_in_dim3A_101 : f32 to vector<1024x64xf32>
      %concatenate3A = tpu.concatenate %convert_element_type3A_100, %broadcast_in_dim3A_102 in 1 : vector<1024x64xf32>, vector<1024x64xf32> -> vector<1024x128xf32>
      %swap3A_103 = arith.constant 0 : index
      %swap3A_104 = arith.constant 0 : index
      %swap3A_105 = vector.load %arg5[%swap3A_103, %swap3A_104] : memref<1024x128xf32, #tpu.memory_space<vmem>>, vector<1024x128xf32>
      tpu.vector_store %arg5[%swap3A_103, %swap3A_104], %concatenate3A {strides = array<i32>} : memref<1024x128xf32, #tpu.memory_space<vmem>>, vector<1024x128xf32>,
      %swap3A_106 = arith.constant 0.000000e+00 : f32
      %swap3A_107 = arith.constant 0 : index
      %swap3A_108 = arith.constant 0 : index
      %swap3A_109 = memref.load %arg6[%swap3A_107, %swap3A_108] : memref<1x1xf32, #tpu.memory_space<smem>>
      memref.store %swap3A_106, %arg6[%swap3A_107, %swap3A_108] : memref<1x1xf32, #tpu.memory_space<smem>>
    } else {
    }
    %get3A_82 = arith.constant 0 : index
    %get3A_83 = arith.constant 0 : index
    %get3A_84 = memref.load %arg6[%get3A_82, %get3A_83] : memref<1x1xf32, #tpu.memory_space<smem>>
    %reduce_sum3A_85 = vector.shape_cast %broadcast_in_dim3A_60 : vector<2048x1xf32> to vector<1x2048x1xf32>
    %reduce_sum3A_86 = arith.constant dense<0.000000e+00> : vector<1xf32>
    %reduce_sum3A_87 = vector.multi_reduction <add>, %reduce_sum3A_85, %reduce_sum3A_86 [1, 2] : vector<1x2048x1xf32> to vector<1xf32>
    %reduce_sum3A_88 = vector.shape_cast %reduce_sum3A_87 : vector<1xf32> to vector<1x1x1xf32>
    %reduce_sum3A_89 = vector.extract %reduce_sum3A_88[0, 0, 0] : f32 from vector<1x1x1xf32>
    %add3A_90 = arith.addf %get3A_84, %reduce_sum3A_89 : f32
    %swap3A_91 = arith.constant 0 : index
    %swap3A_92 = arith.constant 0 : index
    %swap3A_93 = memref.load %arg6[%swap3A_91, %swap3A_92] : memref<1x1xf32, #tpu.memory_space<smem>>
    memref.store %add3A_90, %arg6[%swap3A_91, %swap3A_92] : memref<1x1xf32, #tpu.memory_space<smem>>
    %eq3A_94 = arith.constant 7 : i32
    %eq3A_95 = arith.cmpi eq, %arg0, %eq3A_94 : i32
    %convert_element_type3A_96 = arith.extui %eq3A_95 : i1 to i32
    %cond3A_97 = arith.constant 0 : i32
    %cond3A_98 = arith.cmpi ne, %convert_element_type3A_96, %cond3A_97 : i32
    scf.if %cond3A_98 {
      %get3A_99 = arith.constant 0 : index
      %get3A_100 = arith.constant 0 : index
      %get3A_101 = memref.load %arg6[%get3A_99, %get3A_100] : memref<1x1xf32, #tpu.memory_space<smem>>
      %mul3A_102 = arith.constant 9.53674316E-7 : f32
      %mul3A_103 = arith.mulf %get3A_101, %mul3A_102 : f32
      %swap3A_104 = arith.constant 0 : index
      %swap3A_105 = arith.constant 0 : index
      %swap3A_106 = memref.load %arg6[%swap3A_104, %swap3A_105] : memref<1x1xf32, #tpu.memory_space<smem>>
      memref.store %mul3A_103, %arg6[%swap3A_104, %swap3A_105] : memref<1x1xf32, #tpu.memory_space<smem>>
    } else {
    }
    return
  }
  func.func @transform_0(%arg0: i32) -> (i32, i32, i32) {
    %c0_i32 = arith.constant 0 : i32
    %c0_i32_0 = arith.constant 0 : i32
    %c0_i32_1 = arith.constant 0 : i32
    return %arg0, %c0_i32, %c0_i32_0 : i32, i32, i32
  }
  func.func @transform_1(%arg0: i32) -> (i32, i32) {
    %c0_i32 = arith.constant 0 : i32
    %c0_i32_0 = arith.constant 0 : i32
    %c0_i32_1 = arith.constant 0 : i32
    return %c0_i32, %c0_i32_0 : i32, i32
  }
  func.func @transform_2(%arg0: i32) -> (i32, i32) {
    %c0_i32 = arith.constant 0 : i32
    %c0_i32_0 = arith.constant 0 : i32
    return %arg0, %c0_i32 : i32, i32
  }
  func.func @transform_3(%arg0: i32) -> (i32, i32, i32) {
    %c0_i32 = arith.constant 0 : i32
    %c0_i32_0 = arith.constant 0 : i32
    %c0_i32_1 = arith.constant 0 : i32
    return %arg0, %c0_i32, %c0_i32_0 : i32, i32, i32
  }
  func.func @transform_4(%arg0: i32) -> (i32, i32) {
    %c0_i32 = arith.constant 0 : i32
    %c0_i32_0 = arith.constant 0 : i32
    %c0_i32_1 = arith.constant 0 : i32
    return %c0_i32, %c0_i32_0 : i32, i32
  }
  func.func @transform_5(%arg0: i32) -> (i32, i32) {
    %c0_i32 = arith.constant 0 : i32
    %c0_i32_0 = arith.constant 0 : i32
    %c0_i32_1 = arith.constant 0 : i32
    return %c0_i32, %c0_i32_0 : i32, i32
  }
}

</mosaic_0001>

<sc_bundles>
// kernel: kernel.4.cloned.1.call-start
scs
__scs_entry_jumppad:
0x0: {  	(pc) =	sbr.rel $0x88, $3  }
0x1: {  	(tag) =	ssettag $0x0;
	lr =	simm.s32 $0x1  }
0x2: {  	[smem:$0x3F9F] =	sst lr;
	_ =	strace $0xD0000000  }
0x3: {  	_ = 	snop  }
0x4: {  	_ = 	snop  }
0x5: {  	_ = 	snop  }
0x6: {  	_ = 	snop  }
0x7: {  	_ = 	snop  }
__scs_overlays_trampoline_lowered:
0x8: {  	[smem:$0x3FAE] =	sst s0  }
0x9: {  	[smem:$0x3FAF] =	sst s1  }
0xa: {  	[smem:$0x3FB0] =	sst s2  }
0xb: {  	[smem:$0x3FB1] =	sst s3  }
0xc: {  	[smem:$0x3FB2] =	sst s4  }
0xd: {  	[smem:$0x3FB3] =	sst s5  }
0xe: {  	[smem:$0x3FB4] =	sst s6  }
0xf: {  	[smem:$0x3FB5] =	sst s7  }
0x10: {  	[smem:$0x3FB6] =	sst s8  }
0x11: {  	[smem:$0x3FB7] =	sst s9;
	s0 =	simm.s32 @!p0 $0x0  }
0x12: {  	s1 =	sld [smem:$0x3F9D];
	s0 =	simm.s32 @p0 $0x1  }
0x13: {  	[smem:$0x3FB8] =	sst s0;
	s0 =	simm.s32 @!p1 $0x0  }
0x14: {  	s2 =	sld [smem:$0x3F9C];
	s0 =	simm.s32 @p1 $0x1  }
0x15: {  	[smem:$0x3FB9] =	sst s0;
	s0 =	simm.s32 @!p2 $0x0  }
0x16: {  	s3 =	sld [smem:$0x3FDB];
	s0 =	simm.s32 @p2 $0x1  }
0x17: {  	s4 =	simm.s32 $0x1BF5;
	[smem:$0x3FBB] =	sst s0  }
0x18: {  	s0 =	sld [smem:$0x3F9E];
	_ =	swait.ge [sflag:s4], $0x0  }
0x19: {  	s7 =	sld [smem:$0x3F9F]  }
0x1a: {  	s8 =	sadd.s32 $0xFFFFE003, lr  }
0x1b: {  	s9 =	sadd.s32 $0xFFFFFEF7, lr;
	s5 =	simm.s32 $0xFFFFFFFF;
	p2 =	slt.u32 s8, $0xFFFFF086  }
0x1c: {  	p1 =	slt.u32 s9, $0xF7A;
	s5 =	simm.s32 @!p2 $0x0  }
0x1d: {  	s5 =	simm.s32 @p1 $0x1;
	p0 =	seq.s32 s7, s2  }
0x1e: {  	s7 =	smul.u32 @!p0 $0xF7A, s2;
	p2 =	seq.s32 @!p0 s5, $0x0  }
0x1f: {  	s9 =	smul.u32 $0xF7A, s1;
	s8 =	simm.s32 @!p0 $0x1BF5;
	p2 =	por !p2, p0  }
0x20: {  	[sflag:s8] =	ssyncset.s32 @!p0 $0xFFFFF086;
	s6 =	sadd.s32 @!p0 s3, s7;
	s7 =	simm.s32 @!p0 $0x108  }
0x21: {  	s3 =	sadd.s32 s3, s9;
	s6 =	sadd.s32 @!p0 $0x88, s6;
	s7 =	simm.s32 @p2 $0x1082  }
0x22: {  	[simem:s7], [sflag:s8] =	dma.local @!p0 [hbm:s6], $0xF7A  }
0x23: {  	s9 =	sor.u32 $0xD0000000, s2;
	s6 =	simm.s32 $0x108;
	_ =	swait.ge @!p0 [sflag:s8], $0x0  }
0x24: {  	s3 =	sadd.s32 $0x88, s3;
	s6 =	simm.s32 @!p1 $0x1082;
	[sflag:s4] =	ssyncset.s32 $0xFFFFF086  }
0x25: {  	[simem:s6], [sflag:s4] =	dma.local [hbm:s3], $0xF7A  }
0x26: {  	[smem:$0x3F9F] =	sst s1;
	(tag) =	ssettag s2;
	_ =	strace s9  }
0x27: {  	s1 =	sld [smem:$0x3FAF]  }
0x28: {  	s2 =	sld [smem:$0x3FB0]  }
0x29: {  	s4 =	sld [smem:$0x3FB2]  }
0x2a: {  	p0 =	seq.s32 s5, $0x0;
	s5 =	sld [smem:$0x3FB3]  }
0x2b: {  	s6 =	sld [smem:$0x3FB4]  }
0x2c: {  	s7 =	sld [smem:$0x3FB5]  }
0x2d: {  	s3 =	simm.s32 $0x108;
	s8 =	sld [smem:$0x3FB6]  }
0x2e: {  	s3 =	simm.s32 @!p0 $0x1082;
	s9 =	sld [smem:$0x3FB7]  }
0x2f: {  	lr =	sadd.s32 s0, s3;
	s0 =	sld [smem:$0x3FAE]  }
0x30: {  	s3 =	sld [smem:$0x3FB1]  }
0x31: {  	[smem:$0x3FBA] =	sst s10  }
0x32: {  	s10 =	sld [smem:$0x3FB8];
	_ =	sdelay $0x3  }
0x33: {  	p0 =	seq.s32 s10, $0x1;
	s10 =	sld [smem:$0x3FBA];
	_ =	sdelay $0x3  }
0x34: {  	[smem:$0x3FBA] =	sst s10  }
0x35: {  	s10 =	sld [smem:$0x3FB9];
	_ =	sdelay $0x3  }
0x36: {  	p1 =	seq.s32 s10, $0x1;
	s10 =	sld [smem:$0x3FBA];
	_ =	sdelay $0x3  }
0x37: {  	[smem:$0x3FBA] =	sst s10  }
0x38: {  	s10 =	sld [smem:$0x3FBB]  }
0x39: {  	_ = 	snop;
	(pc) =	sbr.ind lr, $3  }
0x3a: {  	_ = 	snop  }
0x3b: {  	_ = 	snop  }
0x3c: {  	p2 =	seq.s32 s10, $0x1;
	s10 =	sld [smem:$0x3FBA]  }
0x3d: {  	_ =	shalt  }
0x3e: {  	_ =	shalt  }
0x3f: {  	_ =	shalt  }
0x40: {  	_ =	shalt  }
0x41: {  	_ =	shalt  }
0x42: {  	_ =	shalt  }
0x43: {  	_ =	shalt  }
0x44: {  	_ =	shalt  }
0x45: {  	_ =	shalt  }
0x46: {  	_ =	shalt  }
0x47: {  	_ =	shalt  }
0x48: {  	_ =	shalt  }
0x49: {  	_ =	shalt  }
0x4a: {  	_ =	shalt  }
0x4b: {  	_ =	shalt  }
0x4c: {  	_ =	shalt  }
0x4d: {  	_ =	shalt  }
0x4e: {  	_ =	shalt  }
0x4f: {  	_ =	shalt  }
0x50: {  	_ =	shalt  }
0x51: {  	_ =	shalt  }
0x52: {  	_ =	shalt  }
0x53: {  	_ =	shalt  }
0x54: {  	_ =	shalt  }
0x55: {  	_ =	shalt  }
0x56: {  	_ =	shalt  }
0x57: {  	_ =	shalt  }
0x58: {  	_ =	shalt  }
0x59: {  	_ =	shalt  }
0x5a: {  	_ =	shalt  }
0x5b: {  	_ =	shalt  }
0x5c: {  	_ =	shalt  }
0x5d: {  	_ =	shalt  }
0x5e: {  	_ =	shalt  }
0x5f: {  	_ =	shalt  }
0x60: {  	_ =	shalt  }
0x61: {  	_ =	shalt  }
0x62: {  	_ =	shalt  }
0x63: {  	_ =	shalt  }
0x64: {  	_ =	shalt  }
0x65: {  	_ =	shalt  }
0x66: {  	_ =	shalt  }
0x67: {  	_ =	shalt  }
0x68: {  	_ =	shalt  }
0x69: {  	_ =	shalt  }
0x6a: {  	_ =	shalt  }
0x6b: {  	_ =	shalt  }
0x6c: {  	_ =	shalt  }
0x6d: {  	_ =	shalt  }
0x6e: {  	_ =	shalt  }
0x6f: {  	_ =	shalt  }
0x70: {  	_ =	shalt  }
0x71: {  	_ =	shalt  }
0x72: {  	_ =	shalt  }
0x73: {  	_ =	shalt  }
0x74: {  	_ =	shalt  }
0x75: {  	_ =	shalt  }
0x76: {  	_ =	shalt  }
0x77: {  	_ =	shalt  }
0x78: {  	_ =	shalt  }
0x79: {  	_ =	shalt  }
0x7a: {  	_ =	shalt  }
0x7b: {  	_ =	shalt  }
0x7c: {  	_ =	shalt  }
0x7d: {  	_ =	shalt  }
0x7e: {  	_ =	shalt  }
0x7f: {  	_ =	shalt  }
0x80: {  	_ =	shalt  }
0x81: {  	_ =	shalt  }
0x82: {  	_ =	shalt  }
0x83: {  	_ =	shalt  }
0x84: {  	_ =	shalt  }
0x85: {  	_ =	shalt  }
0x86: {  	_ =	shalt  }
0x87: {  	_ =	shalt  }
.Lfunc_end0:
.L_simem_size_0:
called_computation_lowered:
.L_overlay_start_0:
0x88: {  	s2 =	sld [smem:$0x3FD9]  }
0x89: {  	s3 =	sld [smem:$0x3FFE];
	_ =	sdelay $0x1  }
0x8a: {  	s1 =	srdreg.scid  }
0x8b: {  	s0 =	sand.u32 $0x1, s1  }
0x8c: {  	s14 =	sshll.u32 s0, $0xA;
	s2 =	sadd.s32 s3, s2  }
0x8d: {  	s2 =	sadd.s32 s2, s14  }
0x8e: {  	[smem:$0x3FC6] =	sst s2  }
0x8f: {  	_ = 	snop  }
0x90: {  	s2 =	sld [smem:$0x3FD0];
	_ =	sdelay $0x2  }
0x91: {  	s15 =	simm.s32 $0xA;
	s4 =	simm.s32 $0x10  }
0x92: {  	[smem:s4], [sflag:s15] =	dma.local [hbm:s2], $0x1  }
0x93: {  	_ =	swait.eq [sflag:s15], $0x1  }
0x94: {  	[sflag:s15] =	ssyncset.done $0x0  }
0x95: {  	[sflag:s15] =	ssyncadd.s32 $0xFFFFFFFF  }
0x96: {  	s16 =	sld [smem:$0x10];
	(tm) =	ssettm $0x1  }
0x97: {  	s17 =	sld [smem:$0x3FFB];
	_ =	sdelay $0x3  }
0x98: {  	_ =	strace s17  }
0x99: {  	s3 =	sld [smem:$0x3FFC];
	_ =	sdelay $0x3  }
0x9a: {  	_ =	strace s3  }
0x9b: {  	s3 =	sld [smem:$0x3FFD];
	_ =	sdelay $0x3  }
0x9c: {  	_ =	strace s3  }
0x9d: {  	_ =	strace $0x8FFFFFFF  }
0x9e: {  	s18 =	sld [smem:$0x3FDB];
	_ =	sdelay $0x1  }
0x9f: {  	s19 =	simm.s32 $_scs_section_size  }
0xa0: {  	s5 =	simm.s32 $_size__tile_overlayer_lowered;
	s6 =	simm.s32 $_tile_overlayer_lowered  }
0xa1: {  	s22 =	simm.s32 $0x1BFF;
	s21 =	sshll.u32 s6, $0x1;
	s3 =	sadd.s32 s19, s18  }
0xa2: {  	s7 =	simm.s32 $0x0;
	s20 =	sshll.u32 s5, $0x1;
	s5 =	sadd.s32 s21, s3  }
0xa3: {  	[timem:s7], [sflag:s22] =	dma.local [hbm:s5], s20  }
0xa4: {  	_ =	swait.ge [sflag:s22], s20  }
0xa5: {  	s4 =	ssub.s32 $0x0, s20;
	[sflag:s22] =	ssyncset.done $0x0  }
0xa6: {  	[sflag:s22] =	ssyncadd.s32 s4;
	_ =	sdelay $0x1  }
0xa7: {  	s23 =	simm.s32 $0x1B8B  }
0xa8: {  	_ =	swait.ge [sflag:s23], $0x1  }
0xa9: {  	[sflag:s23] =	ssyncset.done $0x0  }
0xaa: {  	s25 =	simm.s32 $0x1B8E;
	s24 =	sld [smem:$0x3FFE];
	[sflag:s23] =	ssyncadd.s32 $0xFFFFFFFF  }
0xab: {  	s26 =	simm.s32 $execute0_lowered;
	[smem:$0x3FD2] =	sst s25  }
0xac: {  	s5 =	sshll.u32 s26, $0x1;
	_ =	strace $0x80000046;
	[dreg:$0x1] =	wrdreg $0xFFFFFFFF  }
0xad: {  	s28 =	simm.s32 $_size_execute0_lowered;
	s3 =	sadd.s32 s3, s5;
	[dreg:$0x0] =	wrdreg $0x0  }
0xae: {  	s5 =	sshll.u32 s28, $0x1;
	[dreg:$0x2] =	wrdreg s3  }
0xaf: {  	[dreg:$0x3] =	wrdreg s5  }
0xb0: {  	[dreg:$0x4] =	wrdreg $0xC0  }
0xb1: {  	_ =	task [dreg:s7], $0x5FFFF  }
0xb2: {  	[dreg:$0x1] =	wrdreg $0xFFFFFFFF  }
0xb3: {  	[dreg:$0x0] =	wrdreg $0x60  }
0xb4: {  	[dreg:$0x2] =	wrdreg s16  }
0xb5: {  	[dreg:$0x3] =	wrdreg s24  }
0xb6: {  	[dreg:$0x4] =	wrdreg $0x9  }
0xb7: {  	_ =	task.clear_ibuf [dreg:s7], $0x5FFFF;
	_ =	strace $0x90000046  }
0xb8: {  	s29 =	simm.s32 $0x9;
	_ =	strace $0x80000048  }
0xb9: {  	_ =	swait.ge [sflag:s29], $0x1  }
0xba: {  	[sflag:s29] =	ssyncadd.s32 $0xFFFFFFFF  }
0xbb: {  	_ =	strace $0x90000048  }
0xbc: {  	_ =	sfence  }
0xbd: {  	s30 =	sld [smem:$0x0];
	_ =	sdelay $0x2  }
0xbe: {  	s31 =	sshll.u32 s1, $0xD;
	s1 =	sshrl.u32 s1, $0x2  }
0xbf: {  	s3 =	sand.u32 $0x4000, s31;
	s1 =	sadd.s32 s1, s30  }
0xc0: {  	s0 =	sor.u32 s3, s0;
	s1 =	sshll.u32 s1, $0x11  }
0xc1: {  	s0 =	sor.u32 s1, s0  }
0xc2: {  	s0 =	sadd.s32 $0x8F2B, s0  }
0xc3: {  	[sflag:s0] =	ssyncadd.remote.s32 $0x1  }
0xc4: {  	_ =	sfence.sel $0xFFFF  }
0xc5: {  	[dreg:$0x0] =	wrdreg $0xFFFFFFFF;
	(pc) =	sbr.abs _section_cstart, $3  }
0xc6: {  	[dreg:$0x1] =	wrdreg $0xFFFFFFFF  }
0xc7: {  	_ =	task.clear_ibuf [dreg:s7], $0x2FFFF;
	_ =	strace $0x9FFFFFFF  }
0xc8: {  	(tm) =	ssettm $0x7FFFFFFF  }
0xc9: {  	_ =	shalt  }
tec
execute0_lowered:
.L_overlay_start_1:
0x0: {  	(tag) =	ssettag $0x1  }
0x1: {  	s1 =	srdreg.scid;
	s0 =	stileid.u32  }
0x2: {  	s17 =	sand.u32 $0x1, s1;
	s29 =	sshll.u32 s0, $0x1  }
0x3: {  	s2 =	rddreg [dreg:$0x0];
	s18 =	sor.u32 s17, s29  }
0x4: {  	s19 =	rddreg [dreg:$0x1];
	s3 =	sshll.u32 s0, $0x7;
	s1 =	sshll.u32 s18, $0x6  }
0x5: {  	s5 =	sand.u32 $0x700, s3;
	s3 =	simm.s32 $0x0;
	s4 =	sand.u32 $0xC0, s1  }
0x6: {  	[smem:$0x7FF] =	sst s3;
	s4 =	sor.u32 s5, s4  }
0x7: {  	s1 =	rddreg [dreg:$0x2];
	s10 =	sadd.s32 s4, s19  }
0x8: {  	_ =	strace $0x80000047;
	s4 =	simm.s32 $0x2;
	s5 =	sadd.s32 $0xA00, s10  }
0x9: {  	[tilespmem:s3], [sflag:$0x2] =	stream.linear.gather [hbm4b:s5+s3], $0x80, $0x38;
	[tilespmem:$0x10200] =	vst v63  }
0xa: {  	_ =	swait.ge [sflag:s4], $0x80  }
0xb: {  	[sflag:s4] =	ssyncset.done $0x0  }
0xc: {  	s7 =	simm.s32 $0x80;
	s6 =	sadd.s32 $0xA10, s10;
	[sflag:s4] =	ssyncadd.s32 $0xFFFFFF80  }
0xd: {  	[tilespmem:s7], [sflag:$0x2] =	stream.linear.gather [hbm4b:s6+s3], $0x80, $0x38;
	[tilespmem:$0x10200] =	vst v63  }
0xe: {  	_ =	swait.ge [sflag:s4], $0x80  }
0xf: {  	[sflag:s4] =	ssyncset.done $0x0  }
0x10: {  	s9 =	simm.s32 $0x100;
	s8 =	sadd.s32 $0xA20, s10;
	[sflag:s4] =	ssyncadd.s32 $0xFFFFFF80  }
0x11: {  	[tilespmem:s9], [sflag:$0x2] =	stream.linear.gather [hbm4b:s8+s3], $0x80, $0x38;
	[tilespmem:$0x10200] =	vst v63  }
0x12: {  	_ =	swait.ge [sflag:s4], $0x80  }
0x13: {  	[sflag:s4] =	ssyncset.done $0x0  }
0x14: {  	s11 =	simm.s32 $0x180;
	s10 =	sadd.s32 $0xA30, s10;
	[sflag:s4] =	ssyncadd.s32 $0xFFFFFF80  }
0x15: {  	[tilespmem:s11], [sflag:$0x2] =	stream.linear.gather [hbm4b:s10+s3], $0x80, $0x38;
	[tilespmem:$0x10200] =	vst v63  }
0x16: {  	_ =	swait.ge [sflag:s4], $0x80  }
0x17: {  	[sflag:s4] =	ssyncset.done $0x0  }
0x18: {  	s12 =	simm.s32 $0x200;
	[sflag:s4] =	ssyncadd.s32 $0xFFFFFF80  }
0x19: {  	[tilespmem:s12], [sflag:$0x1] =	stream.indirect.gather [hbm4b:s2+s7], $0x80, s3, s7, $0xb8;
	[tilespmem:$0x10200] =	vst v63  }
0x1a: {  	s13 =	simm.s32 $0x4200  }
0x1b: {  	[tilespmem:s13], [sflag:$0x1] =	stream.indirect.gather [hbm4b:s2+s7], $0x80, s7, s7, $0xb8;
	[tilespmem:$0x10200] =	vst v63  }
0x1c: {  	s14 =	simm.s32 $0x8200  }
0x1d: {  	[tilespmem:s14], [sflag:$0x1] =	stream.indirect.gather [hbm4b:s2+s7], $0x80, s9, s7, $0xb8;
	[tilespmem:$0x10200] =	vst v63  }
0x1e: {  	s15 =	simm.s32 $0xC200;
	s16 =	simm.s32 $0x1  }
0x1f: {  	[tilespmem:s15], [sflag:$0x1] =	stream.indirect.gather [hbm4b:s2+s7], $0x80, s11, s7, $0xb8;
	[tilespmem:$0x10200] =	vst v63  }
0x20: {  	_ =	swait.ge [sflag:s16], $0x4000  }
0x21: {  	[sflag:s16] =	ssyncset.done $0x0  }
0x22: {  	[sflag:s16] =	ssyncadd.s32 $0xFFFFC000  }
0x23: {  	_ =	swait.ge [sflag:s16], $0x4000  }
0x24: {  	[sflag:s16] =	ssyncset.done $0x0  }
0x25: {  	s17 =	ssub.s32 $0x2, s17;
	[sflag:s16] =	ssyncadd.s32 $0xFFFFC000  }
0x26: {  	s20 =	sshrl.u32 s17, $0x1;
	_ =	swait.ge [sflag:s16], $0x4000  }
0x27: {  	s30 =	ssub.s32 s17, s20;
	[sflag:s16] =	ssyncset.done $0x0  }
0x28: {  	s31 =	smax.u32 s30, $0x1;
	[sflag:s16] =	ssyncadd.s32 $0xFFFFC000  }
0x29: {  	s18 =	sshll.u32 s18, $0xD;
	p0 =	sne.s32 s31, $0x1;
	_ =	swait.ge [sflag:s16], $0x4000  }
.Ltmp0:
0x2a: {  	s18 =	sadd.s32 s18, s19;
	[sflag:s16] =	ssyncset.done $0x0;
	(pc) =	sbr.rel @!p0 .LBB2_2-.Ltmp0, $4  }
0x2b: {  	s17 =	sadd.s32 $0x1200, s18;
	[sflag:s16] =	ssyncadd.s32 $0xFFFFC000  }
0x2c: {  	[hbm4b:s17+s3] =	stream.linear.scatter [tilespmem:s12], [sflag:$0x2], $0x10000, $0x38;
	[tilespmem:$0x10200] =	vst v63  }
0x2d: {  	_ =	swait.ge [sflag:s4], $0x10000  }
0x2e: {  	s18 =	sadd.s32 $0xFFFFFFFF, s31;
	[sflag:s4] =	ssyncset.done $0x0  }
.LBB2_1:
0x2f: {  	p0 =	sne.s32 s18, $0x1;
	s18 =	sadd.s32 $0xFFFFFFFF, s18;
	[sflag:s4] =	ssyncadd.s32 $0xFFFF0000  }
0x30: {  	[tilespmem:s3], [sflag:$0x2] =	stream.linear.gather [hbm4b:s5+s3], $0x80, $0x38;
	[tilespmem:$0x10200] =	vst v63  }
0x31: {  	_ =	swait.ge [sflag:s4], $0x80  }
0x32: {  	[sflag:s4] =	ssyncset.done $0x0  }
0x33: {  	[sflag:s4] =	ssyncadd.s32 $0xFFFFFF80  }
0x34: {  	[tilespmem:s7], [sflag:$0x2] =	stream.linear.gather [hbm4b:s6+s3], $0x80, $0x38;
	[tilespmem:$0x10200] =	vst v63  }
0x35: {  	_ =	swait.ge [sflag:s4], $0x80  }
0x36: {  	[sflag:s4] =	ssyncset.done $0x0  }
0x37: {  	[sflag:s4] =	ssyncadd.s32 $0xFFFFFF80  }
0x38: {  	[tilespmem:s9], [sflag:$0x2] =	stream.linear.gather [hbm4b:s8+s3], $0x80, $0x38;
	[tilespmem:$0x10200] =	vst v63  }
0x39: {  	_ =	swait.ge [sflag:s4], $0x80  }
0x3a: {  	[sflag:s4] =	ssyncset.done $0x0  }
0x3b: {  	[sflag:s4] =	ssyncadd.s32 $0xFFFFFF80  }
0x3c: {  	[tilespmem:s11], [sflag:$0x2] =	stream.linear.gather [hbm4b:s10+s3], $0x80, $0x38;
	[tilespmem:$0x10200] =	vst v63  }
0x3d: {  	_ =	swait.ge [sflag:s4], $0x80  }
0x3e: {  	[sflag:s4] =	ssyncset.done $0x0  }
0x3f: {  	[sflag:s4] =	ssyncadd.s32 $0xFFFFFF80  }
0x40: {  	[tilespmem:s12], [sflag:$0x1] =	stream.indirect.gather [hbm4b:s2+s7], $0x80, s3, s7, $0xb8;
	[tilespmem:$0x10200] =	vst v63  }
0x41: {  	_ = 	snop  }
0x42: {  	[tilespmem:s13], [sflag:$0x1] =	stream.indirect.gather [hbm4b:s2+s7], $0x80, s7, s7, $0xb8;
	[tilespmem:$0x10200] =	vst v63  }
0x43: {  	_ = 	snop  }
0x44: {  	[tilespmem:s14], [sflag:$0x1] =	stream.indirect.gather [hbm4b:s2+s7], $0x80, s9, s7, $0xb8;
	[tilespmem:$0x10200] =	vst v63  }
0x45: {  	_ = 	snop  }
0x46: {  	[tilespmem:s15], [sflag:$0x1] =	stream.indirect.gather [hbm4b:s2+s7], $0x80, s11, s7, $0xb8;
	[tilespmem:$0x10200] =	vst v63  }
0x47: {  	_ =	swait.ge [sflag:s16], $0x4000  }
0x48: {  	[sflag:s16] =	ssyncset.done $0x0  }
0x49: {  	[sflag:s16] =	ssyncadd.s32 $0xFFFFC000  }
0x4a: {  	_ =	swait.ge [sflag:s16], $0x4000  }
0x4b: {  	[sflag:s16] =	ssyncset.done $0x0  }
0x4c: {  	[sflag:s16] =	ssyncadd.s32 $0xFFFFC000  }
0x4d: {  	_ =	swait.ge [sflag:s16], $0x4000  }
0x4e: {  	[sflag:s16] =	ssyncset.done $0x0  }
0x4f: {  	[sflag:s16] =	ssyncadd.s32 $0xFFFFC000  }
0x50: {  	_ =	swait.ge [sflag:s16], $0x4000  }
.Ltmp1:
0x51: {  	[sflag:s16] =	ssyncset.done $0x0;
	(pc) =	sbr.rel @p0 .LBB2_1-.Ltmp1, $4  }
0x52: {  	[sflag:s16] =	ssyncadd.s32 $0xFFFFC000  }
0x53: {  	[hbm4b:s17+s3] =	stream.linear.scatter [tilespmem:s12], [sflag:$0x2], $0x10000, $0x38;
	[tilespmem:$0x10200] =	vst v63  }
0x54: {  	_ =	swait.ge [sflag:s4], $0x10000  }
0x55: {  	[sflag:s4] =	ssyncset.done $0x0  }
.LBB2_2:
0x56: {  	[sflag:s4] =	ssyncadd.s32 $0xFFFF0000  }
0x57: {  	_ =	sfence.sel $0x180000  }
0x58: {  	[bflag:$0x0] =	sbarrier.arrive $0xFFFF  }
0x59: {  	p0 =	sne.s32 s0, $0x0;
	_ =	strace $0x90000047  }
0x5a: {  	s0 =	sadd.s32 @!p0 $0x100000, s1;
	[bflag:$0x2] =	sbarrier.arrive $0xFFFF  }
0x5b: {  	[sflag:s0] =	ssyncadd.tile.s32 @!p0 $0x1;
	_ =	shalt  }
.Lfunc_end2:
_tile_overlayer_lowered:
.L_overlay_start_2:
0x5c: {  	(tag) =	ssettag $0x2  }
0x5d: {  	s0 =	rddreg [dreg:$0x0];
	s2 =	stileid.u32  }
0x5e: {  	s1 =	rddreg [dreg:$0x1];
	p0 =	sne.s32 s2, $0x0  }
0x5f: {  	s3 =	rddreg [dreg:$0x2];
	[bflag:$0x3] =	sbarrier.arrive $0xFFFF;
	s2 =	simm.s32 @!p0 $0x1C02  }
0x60: {  	[timem:s3], [sflag:s2] =	dma.local @!p0 [hbm:s0], s1  }
0x61: {  	s0 =	simm.s32 @!p0 $0x2  }
0x62: {  	_ =	swait.ge @!p0 [sflag:s0], s1  }
0x63: {  	s1 =	ssub.s32 @!p0 $0x0, s1;
	[sflag:s0] =	ssyncset.done @!p0 $0x0  }
0x64: {  	[sflag:s0] =	ssyncadd.s32 @!p0 s1  }
0x65: {  	[bflag:$0x3] =	sbarrier.arrive $0xFFFF  }
0x66: {  	_ =	shalt  }

</sc_bundles>
